<compile_context>
chip_gen: v7x
topology: tpu7x:2x2x1
jax: 0.10.2.dev20260603
libtpu: 0.0.44.dev20260713+nightly
codegen_flags: <defaults>
</compile_context>

<pallas_src>
import functools

import jax
import jax.numpy as jnp
from jax import lax
from jax.experimental import pallas as pl
from jax.experimental.pallas import tpu as pltpu
from jax.experimental.pallas import tpu_sc as plsc


def _sc_gather_body(idx_hbm, kflat_hbm, vflat_hbm, kout_hbm, vout_hbm,
                    idx_v, krows, vrows, sem):
    wid = lax.axis_index("s") * 2 + lax.axis_index("c")

    @pl.when(wid == 0)
    def _():
        pltpu.sync_copy(idx_hbm, idx_v)
        pltpu.async_copy(kflat_hbm.at[idx_v], krows, sem).wait()
        pltpu.async_copy(vflat_hbm.at[idx_v], vrows, sem).wait()
        pltpu.sync_copy(krows, kout_hbm)
        pltpu.sync_copy(vrows, vout_hbm)


def _matmul_kernel(rw_ref, krec_ref, vrec_ref, out_ref):
    rw = rw_ref[...]
    out_ref[0] = jnp.dot(rw, krec_ref[...], preferred_element_type=jnp.float32)
    out_ref[1] = jnp.dot(rw, vrec_ref[...], preferred_element_type=jnp.float32)


def kernel(keys, values, routing_weights, key_cache, value_cache,
           cache_positions):
    T, C, H = key_cache.shape
    B, S, _ = routing_weights.shape
    BS = B * S
    BS_BLK = 1024
    nblk = BS // BS_BLK

    rpos = ((cache_positions + 1) % C).astype(jnp.int32)
    flat_idx = jnp.arange(T, dtype=jnp.int32) * C + rpos
    kflat = key_cache.reshape(T * C, H)
    vflat = value_cache.reshape(T * C, H)

    mesh = plsc.VectorSubcoreMesh(core_axis_name="c", subcore_axis_name="s")
    sc_gather = functools.partial(
        pl.kernel,
        out_type=[jax.ShapeDtypeStruct((T, H), jnp.float32)] * 2,
        mesh=mesh,
        scratch_types=[
            pltpu.VMEM((T,), jnp.int32),
            pltpu.VMEM((T, H), jnp.float32),
            pltpu.VMEM((T, H), jnp.float32),
            pltpu.SemaphoreType.DMA,
        ],
    )(_sc_gather_body)
    recent_k, recent_v = sc_gather(flat_idx, kflat, vflat)

    rw2 = routing_weights.reshape(BS, T)
    out = pl.pallas_call(
        _matmul_kernel,
        grid=(nblk,),
        in_specs=[
            pl.BlockSpec((BS_BLK, T), lambda i: (i, 0)),
            pl.BlockSpec((T, H), lambda i: (0, 0)),
            pl.BlockSpec((T, H), lambda i: (0, 0)),
        ],
        out_specs=pl.BlockSpec((2, BS_BLK, H), lambda i: (0, i, 0)),
        out_shape=jax.ShapeDtypeStruct((2, BS, H), jnp.float32),
    )(rw2, recent_k, recent_v)
    return out.reshape(2, B, S, H)

# --- scband reference (transcript-rebuilt; emitter-appended) ---
"""Pipeline reference for scband-mo-rkvcache-17317308138095 (READ-ONLY COPY).

The authoritative reference and input builder live on the scoring server;
editing this copy changes nothing except your own understanding.
"""

import jax, jax.numpy as jnp
import numpy as np


def setup_inputs(seed: int = 0) -> dict:
    key = jax.random.key(seed)
    ks = jax.random.split(key, 6)
    B, S, H, T, C = 4, 4096, 1024, 16, 4096
    return {
        "keys": jax.random.normal(ks[0], (B, S, H), dtype=jnp.float32),
        "values": jax.random.normal(ks[1], (B, S, H), dtype=jnp.float32),
        "routing_weights": jax.random.uniform(ks[2], (B, S, T), dtype=jnp.float32),
        "key_cache": jax.random.normal(ks[3], (T, C, H), dtype=jnp.float32),
        "value_cache": jax.random.normal(ks[4], (T, C, H), dtype=jnp.float32),
        "cache_positions": jax.random.randint(ks[5], (T,), 0, C, dtype=jnp.int32),
    }


def reference(keys, values, routing_weights, key_cache, value_cache, cache_positions):
    # Faithful translation of MoRKVCache.update_cache followed by retrieve_from_cache.
    T, C, H = key_cache.shape
    B, S, _ = keys.shape
    # update_cache detaches keys/values/routing_weights
    kd = jax.lax.stop_gradient(keys)
    vd = jax.lax.stop_gradient(values)
    rwd = jax.lax.stop_gradient(routing_weights)
    denom = B * S
    # per-token weighted mean over (batch, seq): vectorized form of the python loop
    avg_keys = jnp.einsum('bst,bsh->th', rwd, kd) / denom
    avg_vals = jnp.einsum('bst,bsh->th', rwd, vd) / denom
    pos = cache_positions % C
    tidx = jnp.arange(T)
    # scatter-overwrite into the ring-buffer caches
    key_cache_new = key_cache.at[tidx, pos].set(avg_keys)
    value_cache_new = value_cache.at[tidx, pos].set(avg_vals)
    new_positions = cache_positions + 1
    # retrieve_from_cache reads at the (incremented) position, as in the torch code
    rpos = new_positions % C
    recent_keys = key_cache_new[tidx, rpos]
    recent_vals = value_cache_new[tidx, rpos]
    retrieved_keys = jnp.einsum('bst,th->bsh', routing_weights, recent_keys)
    retrieved_values = jnp.einsum('bst,th->bsh', routing_weights, recent_vals)
    return jnp.stack([retrieved_keys, retrieved_values])

if __name__ == "__main__":
    import jax
    _d = setup_inputs()
    print(jax.jit(kernel)(*tuple(_d.values())))

</pallas_src>

<mosaic_0001>
#map = affine_map<(d0, d1) -> (0)>
#map1 = affine_map<(d0, d1) -> (0, 0)>
module attributes {stable_mosaic.version = 14 : i64} {
  func.func @_sc_gather_body(%arg0: i32, %arg1: i32, %arg2: memref<16xi32, #tpu.memory_space<hbm>>, %arg3: memref<65536x1024xf32, #tpu.memory_space<hbm>>, %arg4: memref<65536x1024xf32, #tpu.memory_space<hbm>>, %arg5: memref<16x1024xf32, #tpu.memory_space<hbm>>, %arg6: memref<16x1024xf32, #tpu.memory_space<hbm>>, %arg7: memref<16xi32, #tpu.memory_space<vmem>>, %arg8: memref<16x1024xf32, #tpu.memory_space<vmem>>, %arg9: memref<16x1024xf32, #tpu.memory_space<vmem>>, %arg10: memref<!tpu.dma_semaphore, #tpu.memory_space<semaphore_mem>>) attributes {dimension_semantics = [#tpu.dimension_semantics<core_parallel>, #tpu.dimension_semantics<subcore_parallel>], iteration_bounds = array<i64: 2, 16>, scalar_prefetch = 0 : i64, scratch_operands = 4 : i64, tpu.core_type = #tpu.core_type<sc_vector_subcore>, window_params = [{transform_indices = #map}, {transform_indices = #map1}, {transform_indices = #map1}, {transform_indices = #map1}, {transform_indices = #map1}]} {
    %mul3A = arith.constant 2 : i32
    %mul3A_0 = arith.muli %arg1, %mul3A : i32
    %add3A = arith.addi %mul3A_0, %arg0 : i32
    %eq3A = arith.constant 0 : i32
    %eq3A_1 = arith.cmpi eq, %add3A, %eq3A : i32
    %convert_element_type3A = arith.extui %eq3A_1 : i1 to i32
    %cond3A = arith.constant 0 : i32
    %cond3A_2 = arith.cmpi ne, %convert_element_type3A, %cond3A : i32
    scf.if %cond3A_2 {
      "tpu.region"() ({
        %run_scoped3A = tpu.sem_alloc : memref<!tpu.dma_semaphore, #tpu.memory_space<semaphore_mem>>
        tpu.enqueue_dma source(%arg2 : memref<16xi32, #tpu.memory_space<hbm>>) target(%arg7 : memref<16xi32, #tpu.memory_space<vmem>>) target_semaphore(%run_scoped3A : memref<!tpu.dma_semaphore, #tpu.memory_space<semaphore_mem>>)
        tpu.wait_dma2 semaphore(%run_scoped3A : memref<!tpu.dma_semaphore, #tpu.memory_space<semaphore_mem>>) src(%arg2 : memref<16xi32, #tpu.memory_space<hbm>>) dst(%arg7 : memref<16xi32, #tpu.memory_space<vmem>>)
        tpu.yield
      }) : () -> ()
      %dma_start3A = arith.constant 0 : i32
      %dma_start3A_3 = arith.constant 0 : i32
      %dma_start3A_4 = tpu.memref_slice %arg3[%dma_start3A, %dma_start3A_3] : memref<65536x1024xf32, #tpu.memory_space<hbm>> -> memref<65536x1024xf32, #tpu.memory_space<hbm>>
      tpu.enqueue_indirect_dma source(%dma_start3A_4 : memref<65536x1024xf32, #tpu.memory_space<hbm>>) target(%arg8 : memref<16x1024xf32, #tpu.memory_space<vmem>>) offsets(%arg7 : memref<16xi32, #tpu.memory_space<vmem>>) semaphore(%arg10 : memref<!tpu.dma_semaphore, #tpu.memory_space<semaphore_mem>>)
      %dma_wait3A = arith.constant 0 : i32
      %dma_wait3A_5 = arith.constant 0 : i32
      %dma_wait3A_6 = tpu.memref_slice %arg3[%dma_wait3A, %dma_wait3A_5] : memref<65536x1024xf32, #tpu.memory_space<hbm>> -> memref<65536x1024xf32, #tpu.memory_space<hbm>>
      tpu.wait_indirect_dma semaphore(%arg10 : memref<!tpu.dma_semaphore, #tpu.memory_space<semaphore_mem>>) src(%dma_wait3A_6 : memref<65536x1024xf32, #tpu.memory_space<hbm>>) dst(%arg8 : memref<16x1024xf32, #tpu.memory_space<vmem>>)
      %dma_start3A_7 = arith.constant 0 : i32
      %dma_start3A_8 = arith.constant 0 : i32
      %dma_start3A_9 = tpu.memref_slice %arg4[%dma_start3A_7, %dma_start3A_8] : memref<65536x1024xf32, #tpu.memory_space<hbm>> -> memref<65536x1024xf32, #tpu.memory_space<hbm>>
      tpu.enqueue_indirect_dma source(%dma_start3A_9 : memref<65536x1024xf32, #tpu.memory_space<hbm>>) target(%arg9 : memref<16x1024xf32, #tpu.memory_space<vmem>>) offsets(%arg7 : memref<16xi32, #tpu.memory_space<vmem>>) semaphore(%arg10 : memref<!tpu.dma_semaphore, #tpu.memory_space<semaphore_mem>>)
      %dma_wait3A_10 = arith.constant 0 : i32
      %dma_wait3A_11 = arith.constant 0 : i32
      %dma_wait3A_12 = tpu.memref_slice %arg4[%dma_wait3A_10, %dma_wait3A_11] : memref<65536x1024xf32, #tpu.memory_space<hbm>> -> memref<65536x1024xf32, #tpu.memory_space<hbm>>
      tpu.wait_indirect_dma semaphore(%arg10 : memref<!tpu.dma_semaphore, #tpu.memory_space<semaphore_mem>>) src(%dma_wait3A_12 : memref<65536x1024xf32, #tpu.memory_space<hbm>>) dst(%arg9 : memref<16x1024xf32, #tpu.memory_space<vmem>>)
      "tpu.region"() ({
        %run_scoped3A = tpu.sem_alloc : memref<!tpu.dma_semaphore, #tpu.memory_space<semaphore_mem>>
        tpu.enqueue_dma source(%arg8 : memref<16x1024xf32, #tpu.memory_space<vmem>>) target(%arg5 : memref<16x1024xf32, #tpu.memory_space<hbm>>) target_semaphore(%run_scoped3A : memref<!tpu.dma_semaphore, #tpu.memory_space<semaphore_mem>>)
        tpu.wait_dma2 semaphore(%run_scoped3A : memref<!tpu.dma_semaphore, #tpu.memory_space<semaphore_mem>>) src(%arg8 : memref<16x1024xf32, #tpu.memory_space<vmem>>) dst(%arg5 : memref<16x1024xf32, #tpu.memory_space<hbm>>)
        tpu.yield
      }) : () -> ()
      "tpu.region"() ({
        %run_scoped3A = tpu.sem_alloc : memref<!tpu.dma_semaphore, #tpu.memory_space<semaphore_mem>>
        tpu.enqueue_dma source(%arg9 : memref<16x1024xf32, #tpu.memory_space<vmem>>) target(%arg6 : memref<16x1024xf32, #tpu.memory_space<hbm>>) target_semaphore(%run_scoped3A : memref<!tpu.dma_semaphore, #tpu.memory_space<semaphore_mem>>)
        tpu.wait_dma2 semaphore(%run_scoped3A : memref<!tpu.dma_semaphore, #tpu.memory_space<semaphore_mem>>) src(%arg9 : memref<16x1024xf32, #tpu.memory_space<vmem>>) dst(%arg6 : memref<16x1024xf32, #tpu.memory_space<hbm>>)
        tpu.yield
      }) : () -> ()
    } else {
    }
    return
  }
}

module attributes {stable_mosaic.version = 14 : i64} {
  func.func @_matmul_kernel(%arg0: i32, %arg1: memref<1024x16xf32, #tpu.memory_space<vmem>>, %arg2: memref<16x1024xf32, #tpu.memory_space<vmem>>, %arg3: memref<16x1024xf32, #tpu.memory_space<vmem>>, %arg4: memref<2x1024x1024xf32, #tpu.memory_space<vmem>>) attributes {dimension_semantics = [#tpu.dimension_semantics<arbitrary>], iteration_bounds = array<i64: 16>, scalar_prefetch = 0 : i64, scratch_operands = 0 : i64, tpu.core_type = #tpu.core_type<tc>, window_params = [{transform_indices = @transform_0, window_bounds = array<i64: 1024, 16>}, {pipeline_mode = #tpu.pipeline_mode<synchronous>, transform_indices = @transform_1, window_bounds = array<i64: 16, 1024>}, {pipeline_mode = #tpu.pipeline_mode<synchronous>, transform_indices = @transform_2, window_bounds = array<i64: 16, 1024>}, {transform_indices = @transform_3, window_bounds = array<i64: 2, 1024, 1024>}]} {
    %get3A = arith.constant 0 : index
    %get3A_0 = arith.constant 0 : index
    %get3A_1 = vector.load %arg1[%get3A, %get3A_0] : memref<1024x16xf32, #tpu.memory_space<vmem>>, vector<1024x16xf32>
    %get3A_2 = arith.constant 0 : index
    %get3A_3 = arith.constant 0 : index
    %get3A_4 = vector.load %arg2[%get3A_2, %get3A_3] : memref<16x1024xf32, #tpu.memory_space<vmem>>, vector<16x1024xf32>
    %dot_general3A = arith.constant dense<0.000000e+00> : vector<1024x1024xf32>
    %dot_general3A_5 = tpu.matmul %get3A_1, %get3A_4, %dot_general3A {dimension_numbers = #tpu.dot_dimension_numbers<[1], [0], [0], [1], [0, 0, 1, 1], [], []>, transpose_lhs_hint = false} : vector<1024x16xf32>, vector<16x1024xf32>, vector<1024x1024xf32> -> vector<1024x1024xf32>
    %swap3A = arith.constant 0 : index
    %swap3A_6 = arith.constant 0 : index
    %swap3A_7 = arith.constant 0 : index
    %swap3A_8 = vector.load %arg4[%swap3A, %swap3A_6, %swap3A_7] : memref<2x1024x1024xf32, #tpu.memory_space<vmem>>, vector<1x1024x1024xf32>
    %swap3A_9 = vector.shape_cast %swap3A_8 : vector<1x1024x1024xf32> to vector<1024x1024xf32>
    %swap3A_10 = vector.shape_cast %dot_general3A_5 : vector<1024x1024xf32> to vector<1x1024x1024xf32>
    tpu.vector_store %arg4[%swap3A, %swap3A_6, %swap3A_7], %swap3A_10 {strides = array<i32>} : memref<2x1024x1024xf32, #tpu.memory_space<vmem>>, vector<1x1024x1024xf32>,
    %get3A_11 = arith.constant 0 : index
    %get3A_12 = arith.constant 0 : index
    %get3A_13 = vector.load %arg3[%get3A_11, %get3A_12] : memref<16x1024xf32, #tpu.memory_space<vmem>>, vector<16x1024xf32>
    %dot_general3A_14 = arith.constant dense<0.000000e+00> : vector<1024x1024xf32>
    %dot_general3A_15 = tpu.matmul %get3A_1, %get3A_13, %dot_general3A_14 {dimension_numbers = #tpu.dot_dimension_numbers<[1], [0], [0], [1], [0, 0, 1, 1], [], []>, transpose_lhs_hint = false} : vector<1024x16xf32>, vector<16x1024xf32>, vector<1024x1024xf32> -> vector<1024x1024xf32>
    %swap3A_16 = arith.constant 1 : index
    %swap3A_17 = arith.constant 0 : index
    %swap3A_18 = arith.constant 0 : index
    %swap3A_19 = vector.load %arg4[%swap3A_16, %swap3A_17, %swap3A_18] : memref<2x1024x1024xf32, #tpu.memory_space<vmem>>, vector<1x1024x1024xf32>
    %swap3A_20 = vector.shape_cast %swap3A_19 : vector<1x1024x1024xf32> to vector<1024x1024xf32>
    %swap3A_21 = vector.shape_cast %dot_general3A_15 : vector<1024x1024xf32> to vector<1x1024x1024xf32>
    tpu.vector_store %arg4[%swap3A_16, %swap3A_17, %swap3A_18], %swap3A_21 {strides = array<i32>} : memref<2x1024x1024xf32, #tpu.memory_space<vmem>>, vector<1x1024x1024xf32>,
    return
  }
  func.func @transform_0(%arg0: i32) -> (i32, i32) {
    %c0_i32 = arith.constant 0 : i32
    %c0_i32_0 = arith.constant 0 : i32
    return %arg0, %c0_i32 : i32, i32
  }
  func.func @transform_1(%arg0: i32) -> (i32, i32) {
    %c0_i32 = arith.constant 0 : i32
    %c0_i32_0 = arith.constant 0 : i32
    %c0_i32_1 = arith.constant 0 : i32
    return %c0_i32, %c0_i32_0 : i32, i32
  }
  func.func @transform_2(%arg0: i32) -> (i32, i32) {
    %c0_i32 = arith.constant 0 : i32
    %c0_i32_0 = arith.constant 0 : i32
    %c0_i32_1 = arith.constant 0 : i32
    return %c0_i32, %c0_i32_0 : i32, i32
  }
  func.func @transform_3(%arg0: i32) -> (i32, i32, i32) {
    %c0_i32 = arith.constant 0 : i32
    %c0_i32_0 = arith.constant 0 : i32
    %c0_i32_1 = arith.constant 0 : i32
    return %c0_i32, %arg0, %c0_i32_0 : i32, i32, i32
  }
}

</mosaic_0001>

<sc_bundles>
// kernel: kernel.4.cloned.1.call-start
scs
__scs_entry_jumppad:
0x0: {  	(pc) =	sbr.rel $0x88, $3  }
0x1: {  	(tag) =	ssettag $0x0;
	lr =	simm.s32 $0x1  }
0x2: {  	[smem:$0x3F9D] =	sst lr;
	_ =	strace $0xD0000000  }
0x3: {  	_ = 	snop  }
0x4: {  	_ = 	snop  }
0x5: {  	_ = 	snop  }
0x6: {  	_ = 	snop  }
0x7: {  	_ = 	snop  }
__scs_overlays_trampoline_lowered:
0x8: {  	[smem:$0x3FAC] =	sst s0  }
0x9: {  	[smem:$0x3FAD] =	sst s1  }
0xa: {  	[smem:$0x3FAE] =	sst s2  }
0xb: {  	[smem:$0x3FAF] =	sst s3  }
0xc: {  	[smem:$0x3FB0] =	sst s4  }
0xd: {  	[smem:$0x3FB1] =	sst s5  }
0xe: {  	[smem:$0x3FB2] =	sst s6  }
0xf: {  	[smem:$0x3FB3] =	sst s7  }
0x10: {  	[smem:$0x3FB4] =	sst s8  }
0x11: {  	[smem:$0x3FB5] =	sst s9;
	s0 =	simm.s32 @!p0 $0x0  }
0x12: {  	s1 =	sld [smem:$0x3F9B];
	s0 =	simm.s32 @p0 $0x1  }
0x13: {  	[smem:$0x3FB6] =	sst s0;
	s0 =	simm.s32 @!p1 $0x0  }
0x14: {  	s2 =	sld [smem:$0x3F9A];
	s0 =	simm.s32 @p1 $0x1  }
0x15: {  	[smem:$0x3FB7] =	sst s0;
	s0 =	simm.s32 @!p2 $0x0  }
0x16: {  	s3 =	sld [smem:$0x3FDB];
	s0 =	simm.s32 @p2 $0x1  }
0x17: {  	s4 =	simm.s32 $0x1BF5;
	[smem:$0x3FB9] =	sst s0  }
0x18: {  	s0 =	sld [smem:$0x3F9C];
	_ =	swait.ge [sflag:s4], $0x0  }
0x19: {  	s7 =	sld [smem:$0x3F9D]  }
0x1a: {  	s8 =	sadd.s32 $0xFFFFE003, lr  }
0x1b: {  	s9 =	sadd.s32 $0xFFFFFEF7, lr;
	s5 =	simm.s32 $0xFFFFFFFF;
	p2 =	slt.u32 s8, $0xFFFFF086  }
0x1c: {  	p1 =	slt.u32 s9, $0xF7A;
	s5 =	simm.s32 @!p2 $0x0  }
0x1d: {  	s5 =	simm.s32 @p1 $0x1;
	p0 =	seq.s32 s7, s2  }
0x1e: {  	s7 =	smul.u32 @!p0 $0xF7A, s2;
	p2 =	seq.s32 @!p0 s5, $0x0  }
0x1f: {  	s9 =	smul.u32 $0xF7A, s1;
	s8 =	simm.s32 @!p0 $0x1BF5;
	p2 =	por !p2, p0  }
0x20: {  	[sflag:s8] =	ssyncset.s32 @!p0 $0xFFFFF086;
	s6 =	sadd.s32 @!p0 s3, s7;
	s7 =	simm.s32 @!p0 $0x108  }
0x21: {  	s3 =	sadd.s32 s3, s9;
	s6 =	sadd.s32 @!p0 $0x88, s6;
	s7 =	simm.s32 @p2 $0x1082  }
0x22: {  	[simem:s7], [sflag:s8] =	dma.local @!p0 [hbm:s6], $0xF7A  }
0x23: {  	s9 =	sor.u32 $0xD0000000, s2;
	s6 =	simm.s32 $0x108;
	_ =	swait.ge @!p0 [sflag:s8], $0x0  }
0x24: {  	s3 =	sadd.s32 $0x88, s3;
	s6 =	simm.s32 @!p1 $0x1082;
	[sflag:s4] =	ssyncset.s32 $0xFFFFF086  }
0x25: {  	[simem:s6], [sflag:s4] =	dma.local [hbm:s3], $0xF7A  }
0x26: {  	[smem:$0x3F9D] =	sst s1;
	(tag) =	ssettag s2;
	_ =	strace s9  }
0x27: {  	s1 =	sld [smem:$0x3FAD]  }
0x28: {  	s2 =	sld [smem:$0x3FAE]  }
0x29: {  	s4 =	sld [smem:$0x3FB0]  }
0x2a: {  	p0 =	seq.s32 s5, $0x0;
	s5 =	sld [smem:$0x3FB1]  }
0x2b: {  	s6 =	sld [smem:$0x3FB2]  }
0x2c: {  	s7 =	sld [smem:$0x3FB3]  }
0x2d: {  	s3 =	simm.s32 $0x108;
	s8 =	sld [smem:$0x3FB4]  }
0x2e: {  	s3 =	simm.s32 @!p0 $0x1082;
	s9 =	sld [smem:$0x3FB5]  }
0x2f: {  	lr =	sadd.s32 s0, s3;
	s0 =	sld [smem:$0x3FAC]  }
0x30: {  	s3 =	sld [smem:$0x3FAF]  }
0x31: {  	[smem:$0x3FB8] =	sst s10  }
0x32: {  	s10 =	sld [smem:$0x3FB6];
	_ =	sdelay $0x3  }
0x33: {  	p0 =	seq.s32 s10, $0x1;
	s10 =	sld [smem:$0x3FB8];
	_ =	sdelay $0x3  }
0x34: {  	[smem:$0x3FB8] =	sst s10  }
0x35: {  	s10 =	sld [smem:$0x3FB7];
	_ =	sdelay $0x3  }
0x36: {  	p1 =	seq.s32 s10, $0x1;
	s10 =	sld [smem:$0x3FB8];
	_ =	sdelay $0x3  }
0x37: {  	[smem:$0x3FB8] =	sst s10  }
0x38: {  	s10 =	sld [smem:$0x3FB9]  }
0x39: {  	_ = 	snop;
	(pc) =	sbr.ind lr, $3  }
0x3a: {  	_ = 	snop  }
0x3b: {  	_ = 	snop  }
0x3c: {  	p2 =	seq.s32 s10, $0x1;
	s10 =	sld [smem:$0x3FB8]  }
0x3d: {  	_ =	shalt  }
0x3e: {  	_ =	shalt  }
0x3f: {  	_ =	shalt  }
0x40: {  	_ =	shalt  }
0x41: {  	_ =	shalt  }
0x42: {  	_ =	shalt  }
0x43: {  	_ =	shalt  }
0x44: {  	_ =	shalt  }
0x45: {  	_ =	shalt  }
0x46: {  	_ =	shalt  }
0x47: {  	_ =	shalt  }
0x48: {  	_ =	shalt  }
0x49: {  	_ =	shalt  }
0x4a: {  	_ =	shalt  }
0x4b: {  	_ =	shalt  }
0x4c: {  	_ =	shalt  }
0x4d: {  	_ =	shalt  }
0x4e: {  	_ =	shalt  }
0x4f: {  	_ =	shalt  }
0x50: {  	_ =	shalt  }
0x51: {  	_ =	shalt  }
0x52: {  	_ =	shalt  }
0x53: {  	_ =	shalt  }
0x54: {  	_ =	shalt  }
0x55: {  	_ =	shalt  }
0x56: {  	_ =	shalt  }
0x57: {  	_ =	shalt  }
0x58: {  	_ =	shalt  }
0x59: {  	_ =	shalt  }
0x5a: {  	_ =	shalt  }
0x5b: {  	_ =	shalt  }
0x5c: {  	_ =	shalt  }
0x5d: {  	_ =	shalt  }
0x5e: {  	_ =	shalt  }
0x5f: {  	_ =	shalt  }
0x60: {  	_ =	shalt  }
0x61: {  	_ =	shalt  }
0x62: {  	_ =	shalt  }
0x63: {  	_ =	shalt  }
0x64: {  	_ =	shalt  }
0x65: {  	_ =	shalt  }
0x66: {  	_ =	shalt  }
0x67: {  	_ =	shalt  }
0x68: {  	_ =	shalt  }
0x69: {  	_ =	shalt  }
0x6a: {  	_ =	shalt  }
0x6b: {  	_ =	shalt  }
0x6c: {  	_ =	shalt  }
0x6d: {  	_ =	shalt  }
0x6e: {  	_ =	shalt  }
0x6f: {  	_ =	shalt  }
0x70: {  	_ =	shalt  }
0x71: {  	_ =	shalt  }
0x72: {  	_ =	shalt  }
0x73: {  	_ =	shalt  }
0x74: {  	_ =	shalt  }
0x75: {  	_ =	shalt  }
0x76: {  	_ =	shalt  }
0x77: {  	_ =	shalt  }
0x78: {  	_ =	shalt  }
0x79: {  	_ =	shalt  }
0x7a: {  	_ =	shalt  }
0x7b: {  	_ =	shalt  }
0x7c: {  	_ =	shalt  }
0x7d: {  	_ =	shalt  }
0x7e: {  	_ =	shalt  }
0x7f: {  	_ =	shalt  }
0x80: {  	_ =	shalt  }
0x81: {  	_ =	shalt  }
0x82: {  	_ =	shalt  }
0x83: {  	_ =	shalt  }
0x84: {  	_ =	shalt  }
0x85: {  	_ =	shalt  }
0x86: {  	_ =	shalt  }
0x87: {  	_ =	shalt  }
.Lfunc_end0:
.L_simem_size_0:
called_computation_lowered:
.L_overlay_start_0:
0x88: {  	s2 =	sld [smem:$0x3FD9]  }
0x89: {  	s3 =	sld [smem:$0x3FFE];
	_ =	sdelay $0x1  }
0x8a: {  	s1 =	srdreg.scid  }
0x8b: {  	s0 =	sand.u32 $0x1, s1  }
0x8c: {  	s17 =	sshll.u32 s0, $0xA;
	s2 =	sadd.s32 s3, s2  }
0x8d: {  	s2 =	sadd.s32 s2, s17  }
0x8e: {  	[smem:$0x3FC4] =	sst s2  }
0x8f: {  	_ = 	snop  }
0x90: {  	s2 =	sld [smem:$0x3FC8]  }
0x91: {  	s18 =	sld [smem:$0x3FC7]  }
0x92: {  	s4 =	sld [smem:$0x3FD0];
	(tm) =	ssettm $0x1  }
0x93: {  	s5 =	sld [smem:$0x3FFB];
	_ =	sdelay $0x3  }
0x94: {  	_ =	strace s5  }
0x95: {  	s5 =	sld [smem:$0x3FFC];
	_ =	sdelay $0x3  }
0x96: {  	_ =	strace s5  }
0x97: {  	s5 =	sld [smem:$0x3FFD];
	_ =	sdelay $0x3  }
0x98: {  	_ =	strace s5  }
0x99: {  	_ =	strace $0x8FFFFFFF  }
0x9a: {  	s19 =	sld [smem:$0x3FDB];
	_ =	sdelay $0x1  }
0x9b: {  	s6 =	simm.s32 $_scs_section_size  }
0x9c: {  	s7 =	simm.s32 $_size__tile_overlayer_lowered;
	s8 =	simm.s32 $_tile_overlayer_lowered  }
0x9d: {  	s22 =	simm.s32 $0x1BFF;
	s21 =	sshll.u32 s8, $0x1;
	s5 =	sadd.s32 s6, s19  }
0x9e: {  	s9 =	simm.s32 $0x0;
	s20 =	sshll.u32 s7, $0x1;
	s7 =	sadd.s32 s21, s5  }
0x9f: {  	[timem:s9], [sflag:s22] =	dma.local [hbm:s7], s20  }
0xa0: {  	_ =	swait.ge [sflag:s22], s20  }
0xa1: {  	s6 =	ssub.s32 $0x0, s20;
	[sflag:s22] =	ssyncset.done $0x0  }
0xa2: {  	[sflag:s22] =	ssyncadd.s32 s6;
	_ =	sdelay $0x1  }
0xa3: {  	s23 =	simm.s32 $0x1B8B  }
0xa4: {  	_ =	swait.ge [sflag:s23], $0x1  }
0xa5: {  	[sflag:s23] =	ssyncset.done $0x0  }
0xa6: {  	s25 =	simm.s32 $0x1B8E;
	s24 =	sld [smem:$0x3FFE];
	[sflag:s23] =	ssyncadd.s32 $0xFFFFFFFF  }
0xa7: {  	s26 =	simm.s32 $execute0_lowered;
	[smem:$0x3FD2] =	sst s25  }
0xa8: {  	s7 =	sshll.u32 s26, $0x1;
	_ =	strace $0x80000046;
	[dreg:$0x1] =	wrdreg $0xFFFFFFFF  }
0xa9: {  	s28 =	simm.s32 $_size_execute0_lowered;
	s5 =	sadd.s32 s5, s7;
	[dreg:$0x0] =	wrdreg $0x0  }
0xaa: {  	s7 =	sshll.u32 s28, $0x1;
	[dreg:$0x2] =	wrdreg s5  }
0xab: {  	[dreg:$0x3] =	wrdreg s7  }
0xac: {  	[dreg:$0x4] =	wrdreg $0xC0  }
0xad: {  	_ =	task [dreg:s9], $0x5FFFF  }
0xae: {  	[dreg:$0x1] =	wrdreg $0xFFFFFFFF  }
0xaf: {  	[dreg:$0x0] =	wrdreg $0x60  }
0xb0: {  	[dreg:$0x2] =	wrdreg s24  }
0xb1: {  	[dreg:$0x3] =	wrdreg s2  }
0xb2: {  	[dreg:$0x4] =	wrdreg s18  }
0xb3: {  	[dreg:$0x5] =	wrdreg s4  }
0xb4: {  	[dreg:$0x6] =	wrdreg $0x9  }
0xb5: {  	_ =	task.clear_ibuf [dreg:s9], $0x7FFFF;
	_ =	strace $0x90000046  }
0xb6: {  	s29 =	simm.s32 $0x9;
	_ =	strace $0x80000048  }
0xb7: {  	_ =	swait.ge [sflag:s29], $0x1  }
0xb8: {  	[sflag:s29] =	ssyncadd.s32 $0xFFFFFFFF  }
0xb9: {  	_ =	strace $0x90000048  }
0xba: {  	_ =	sfence  }
0xbb: {  	s30 =	sld [smem:$0x0];
	_ =	sdelay $0x2  }
0xbc: {  	s31 =	sshll.u32 s1, $0xD;
	s1 =	sshrl.u32 s1, $0x2  }
0xbd: {  	s3 =	sand.u32 $0x4000, s31;
	s1 =	sadd.s32 s1, s30  }
0xbe: {  	s0 =	sor.u32 s3, s0;
	s1 =	sshll.u32 s1, $0x11  }
0xbf: {  	s0 =	sor.u32 s1, s0  }
0xc0: {  	s0 =	sadd.s32 $0x8F2B, s0  }
0xc1: {  	[sflag:s0] =	ssyncadd.remote.s32 $0x1  }
0xc2: {  	_ =	sfence.sel $0xFFFF  }
0xc3: {  	[dreg:$0x0] =	wrdreg $0xFFFFFFFF;
	(pc) =	sbr.abs _section_cstart, $3  }
0xc4: {  	[dreg:$0x1] =	wrdreg $0xFFFFFFFF  }
0xc5: {  	_ =	task.clear_ibuf [dreg:s9], $0x2FFFF;
	_ =	strace $0x9FFFFFFF  }
0xc6: {  	(tm) =	ssettm $0x7FFFFFFF  }
0xc7: {  	_ =	shalt  }
tec
execute0_lowered:
.L_overlay_start_1:
0x0: {  	(tag) =	ssettag $0x1  }
0x1: {  	s0 =	srdreg.scid  }
0x2: {  	s31 =	stileid.u32;
	s7 =	sand.u32 $0x1, s0  }
0x3: {  	s5 =	sshll.u32 s31, $0x1;
	s6 =	ssub.s32 $0x0, s7  }
0x4: {  	p0 =	sne.s32 s5, s6  }
.Ltmp0:
0x5: {  	_ = 	snop;
	(pc) =	sbr.rel @p0 .LBB2_3-.Ltmp0, $4  }
0x6: {  	s2 =	rddreg [dreg:$0x0]  }
0x7: {  	s1 =	rddreg [dreg:$0x1]  }
0x8: {  	s3 =	rddreg [dreg:$0x2]  }
0x9: {  	s4 =	rddreg [dreg:$0x3];
	_ =	strace $0x80000047  }
0xa: {  	s5 =	sadd.s32 $0xE00, s2;
	s6 =	sadd.s32 $0x100, s1  }
0xb: {  	s26 =	ssub.s32 $0x2, s7;
	s7 =	sadd.s32 $0x200, s1;
	s8 =	sadd.s32 $0x300, s1  }
0xc: {  	s9 =	sadd.s32 $0x100, s3;
	s10 =	sadd.s32 $0x200, s3;
	s13 =	simm.s32 $0x0  }
0xd: {  	s14 =	simm.s32 $0x2;
	s15 =	simm.s32 $0x80;
	s16 =	simm.s32 $0x880  }
0xe: {  	s17 =	simm.s32 $0x1080;
	s18 =	simm.s32 $0x1880;
	s19 =	simm.s32 $0x2080  }
0xf: {  	s20 =	simm.s32 $0x2880;
	s21 =	simm.s32 $0x3080;
	s22 =	simm.s32 $0x3880  }
0x10: {  	s23 =	simm.s32 $0x1;
	s24 =	simm.s32 $0x4080;
	s25 =	simm.s32 $0x4880  }
0x11: {  	s28 =	simm.s32 $0x5880;
	s29 =	simm.s32 $0x6080;
	s30 =	simm.s32 $0x6880  }
0x12: {  	v2 =	vlaneseq.u32;
	s31 =	simm.s32 $0x7080;
	[dreg:$0x5] =	wrdreg s5;
	s11 =	sshrl.u32 s26, $0x1  }
0x13: {  	vm0 =	vmmov $0xffff;
	s5 =	sadd.s32 $0x1000, s2;
	v1 =	vshrl.u32 v2, $0x3;
	s2 =	ssub.s32 s26, s11;
	s11 =	sadd.s32 $0x300, s3  }
0x14: {  	v0 =	vand.u32 $0x7, v2;
	v2 =	vor.u32 $0x8, v2;
	s26 =	simm.s32 $0x5080;
	v1 =	vmul.u32 $0x8, v1;
	s12 =	smax.u32 s2, $0x1;
	s2 =	simm.s32 $0x7880  }
.LBB2_2:
0x15: {  	s0 =	rddreg [dreg:$0x5]  }
0x16: {  	[tilespmem:s13], [sflag:$0x2] =	stream.linear.gather [hbm4b:s0+s13], $0x80, $0x38;
	[tilespmem:$0x8080] =	vst v63  }
0x17: {  	_ =	swait.ge [sflag:s14], $0x80  }
0x18: {  	[sflag:s14] =	ssyncset.done $0x0  }
0x19: {  	[sflag:s14] =	ssyncadd.s32 $0xFFFFFF80  }
0x1a: {  	v3 =	vld [tilespmem:$0x0];
	_ =	sdelay $0x4  }
0x1b: {  	v4 =	vshll.u32 v3, $0x3  }
0x1c: {  	v3 =	vand.u32 $0x7, v3;
	v4 =	vand.u32 $0xFFFFFFC0, v4  }
0x1d: {  	v3 =	vor.u32 v3, v4  }
0x1e: {  	v4 =	vperm.xlane v3, v0;
	_ =	sdelay $0x1  }
0x1f: {  	v4 =	vadd.s32 v1, v4;
	_ =	sdelay $0x4  }
0x20: {  	[tilespmem:s15], [sflag:$0x1] =	stream.indirect_vreg.gather [hbm4b:s1+s13], $0x80, v4, vm0, $0xb8;
	[tilespmem:$0x8080] =	vst v63  }
0x21: {  	v3 =	vperm.xlane v3, v2  }
0x22: {  	[tilespmem:s16], [sflag:$0x1] =	stream.indirect_vreg.gather [hbm4b:s6+s13], $0x80, v4, vm0, $0xb8;
	[tilespmem:$0x8080] =	vst v63  }
0x23: {  	v3 =	vadd.s32 v1, v3  }
0x24: {  	[tilespmem:s17], [sflag:$0x1] =	stream.indirect_vreg.gather [hbm4b:s7+s13], $0x80, v4, vm0, $0xb8;
	[tilespmem:$0x8080] =	vst v63  }
0x25: {  	_ = 	snop  }
0x26: {  	[tilespmem:s18], [sflag:$0x1] =	stream.indirect_vreg.gather [hbm4b:s8+s13], $0x80, v4, vm0, $0xb8;
	[tilespmem:$0x8080] =	vst v63  }
0x27: {  	_ = 	snop  }
0x28: {  	[tilespmem:s19], [sflag:$0x1] =	stream.indirect_vreg.gather [hbm4b:s1+s13], $0x80, v3, vm0, $0xb8;
	[tilespmem:$0x8080] =	vst v63  }
0x29: {  	_ = 	snop  }
0x2a: {  	[tilespmem:s20], [sflag:$0x1] =	stream.indirect_vreg.gather [hbm4b:s6+s13], $0x80, v3, vm0, $0xb8;
	[tilespmem:$0x8080] =	vst v63  }
0x2b: {  	_ = 	snop  }
0x2c: {  	[tilespmem:s21], [sflag:$0x1] =	stream.indirect_vreg.gather [hbm4b:s7+s13], $0x80, v3, vm0, $0xb8;
	[tilespmem:$0x8080] =	vst v63  }
0x2d: {  	_ = 	snop  }
0x2e: {  	[tilespmem:s22], [sflag:$0x1] =	stream.indirect_vreg.gather [hbm4b:s8+s13], $0x80, v3, vm0, $0xb8;
	[tilespmem:$0x8080] =	vst v63  }
0x2f: {  	_ =	swait.ge [sflag:s23], $0x4000  }
0x30: {  	[sflag:s23] =	ssyncset.done $0x0  }
0x31: {  	[sflag:s23] =	ssyncadd.s32 $0xFFFFC000  }
0x32: {  	v3 =	vld [tilespmem:$0x0];
	_ =	sdelay $0x4  }
0x33: {  	v63 =	vshll.u32 v3, $0x3  }
0x34: {  	v3 =	vand.u32 $0x7, v3;
	v4 =	vand.u32 $0xFFFFFFC0, v63  }
0x35: {  	v3 =	vor.u32 v3, v4  }
0x36: {  	v4 =	vperm.xlane v3, v0;
	_ =	sdelay $0x1  }
0x37: {  	v4 =	vadd.s32 v1, v4;
	_ =	sdelay $0x4  }
0x38: {  	[tilespmem:s24], [sflag:$0x1] =	stream.indirect_vreg.gather [hbm4b:s3+s13], $0x80, v4, vm0, $0xb8;
	[tilespmem:$0x8080] =	vst v63  }
0x39: {  	v3 =	vperm.xlane v3, v2  }
0x3a: {  	[tilespmem:s25], [sflag:$0x1] =	stream.indirect_vreg.gather [hbm4b:s9+s13], $0x80, v4, vm0, $0xb8;
	[tilespmem:$0x8080] =	vst v63  }
0x3b: {  	v3 =	vadd.s32 v1, v3  }
0x3c: {  	[tilespmem:s26], [sflag:$0x1] =	stream.indirect_vreg.gather [hbm4b:s10+s13], $0x80, v4, vm0, $0xb8;
	[tilespmem:$0x8080] =	vst v63  }
0x3d: {  	_ = 	snop  }
0x3e: {  	[tilespmem:s28], [sflag:$0x1] =	stream.indirect_vreg.gather [hbm4b:s11+s13], $0x80, v4, vm0, $0xb8;
	[tilespmem:$0x8080] =	vst v63  }
0x3f: {  	_ = 	snop  }
0x40: {  	[tilespmem:s29], [sflag:$0x1] =	stream.indirect_vreg.gather [hbm4b:s3+s13], $0x80, v3, vm0, $0xb8;
	[tilespmem:$0x8080] =	vst v63  }
0x41: {  	_ = 	snop  }
0x42: {  	[tilespmem:s30], [sflag:$0x1] =	stream.indirect_vreg.gather [hbm4b:s9+s13], $0x80, v3, vm0, $0xb8;
	[tilespmem:$0x8080] =	vst v63  }
0x43: {  	_ = 	snop  }
0x44: {  	[tilespmem:s31], [sflag:$0x1] =	stream.indirect_vreg.gather [hbm4b:s10+s13], $0x80, v3, vm0, $0xb8;
	[tilespmem:$0x8080] =	vst v63  }
0x45: {  	_ = 	snop  }
0x46: {  	[tilespmem:s2], [sflag:$0x1] =	stream.indirect_vreg.gather [hbm4b:s11+s13], $0x80, v3, vm0, $0xb8;
	[tilespmem:$0x8080] =	vst v63  }
0x47: {  	_ =	swait.ge [sflag:s23], $0x4000  }
0x48: {  	[sflag:s23] =	ssyncset.done $0x0  }
0x49: {  	[sflag:s23] =	ssyncadd.s32 $0xFFFFC000  }
0x4a: {  	[hbm4b:s4+s13] =	stream.linear.scatter [tilespmem:s15], [sflag:$0x2], $0x4000, $0x38;
	[tilespmem:$0x8080] =	vst v63  }
0x4b: {  	_ =	swait.ge [sflag:s14], $0x4000  }
0x4c: {  	p0 =	sne.s32 s12, $0x1;
	[sflag:s14] =	ssyncset.done $0x0  }
.Ltmp1:
0x4d: {  	[sflag:s14] =	ssyncadd.s32 $0xFFFFC000;
	(pc) =	sbr.rel @p0 .LBB2_2-.Ltmp1, $4  }
0x4e: {  	[hbm4b:s5+s13] =	stream.linear.scatter [tilespmem:s24], [sflag:$0x2], $0x4000, $0x38;
	[tilespmem:$0x8080] =	vst v63  }
0x4f: {  	_ =	swait.ge [sflag:s14], $0x4000  }
0x50: {  	[sflag:s14] =	ssyncset.done $0x0  }
0x51: {  	s12 =	sadd.s32 $0xFFFFFFFF, s12;
	[sflag:s14] =	ssyncadd.s32 $0xFFFFC000  }
.LBB2_3:
0x52: {  	_ =	sfence.sel $0x180000  }
0x53: {  	[bflag:$0x0] =	sbarrier.arrive $0xFFFF  }
0x54: {  	_ =	strace $0x90000047  }
0x55: {  	s0 =	stileid.u32;
	[bflag:$0x2] =	sbarrier.arrive $0xFFFF  }
0x56: {  	p0 =	sne.s32 s0, $0x0;
	s0 =	rddreg [dreg:$0x4]  }
0x57: {  	s0 =	sadd.s32 @!p0 $0x100000, s0  }
0x58: {  	[sflag:s0] =	ssyncadd.tile.s32 @!p0 $0x1;
	_ =	shalt  }
.Lfunc_end2:
_tile_overlayer_lowered:
.L_overlay_start_2:
0x59: {  	(tag) =	ssettag $0x2  }
0x5a: {  	s0 =	rddreg [dreg:$0x0];
	s2 =	stileid.u32  }
0x5b: {  	s1 =	rddreg [dreg:$0x1];
	p0 =	sne.s32 s2, $0x0  }
0x5c: {  	s3 =	rddreg [dreg:$0x2];
	[bflag:$0x3] =	sbarrier.arrive $0xFFFF;
	s2 =	simm.s32 @!p0 $0x1C02  }
0x5d: {  	[timem:s3], [sflag:s2] =	dma.local @!p0 [hbm:s0], s1  }
0x5e: {  	s0 =	simm.s32 @!p0 $0x2  }
0x5f: {  	_ =	swait.ge @!p0 [sflag:s0], s1  }
0x60: {  	s1 =	ssub.s32 @!p0 $0x0, s1;
	[sflag:s0] =	ssyncset.done @!p0 $0x0  }
0x61: {  	[sflag:s0] =	ssyncadd.s32 @!p0 s1  }
0x62: {  	[bflag:$0x3] =	sbarrier.arrive $0xFFFF  }
0x63: {  	_ =	shalt  }

</sc_bundles>
